<compile_context>
chip_gen: v7x
topology: tpu7x:2x2x1
jax: 0.10.2.dev20260603
libtpu: 0.0.44.dev20260713+nightly
codegen_flags: <defaults>
</compile_context>

<pallas_src>
import jax
import jax.numpy as jnp
from jax import lax
from jax.experimental import pallas as pl
from jax.experimental.pallas import tpu as pltpu

NUM_FEATURES = 100
NUM_FIELDS = 26
EMBED = 16
FLAT = NUM_FEATURES * EMBED
BLK = 512
ROWS = BLK * FLAT // 128


def _fm_body(x_ref, w_ref, V_ref, fi_ref, yfm_ref, out_ref):
    f32 = jnp.float32
    yfm_ref[:] = jnp.zeros((8, 2), f32)
    out_ref[:] = jnp.zeros((ROWS, 128), f32)


def kernel(x, w, V, field_index):
    batch = x.shape[0]
    w2 = w.reshape(NUM_FEATURES, 1)
    fi2 = field_index.reshape(NUM_FEATURES, 1)
    grid = batch // BLK
    total_rows = batch * FLAT // 128
    yfm, flat = pl.pallas_call(
        _fm_body,
        grid=(grid,),
        in_specs=[
            pl.BlockSpec((BLK, NUM_FEATURES), lambda i: (i, 0)),
            pl.BlockSpec((NUM_FEATURES, 1), lambda i: (0, 0)),
            pl.BlockSpec((NUM_FIELDS, EMBED), lambda i: (0, 0)),
            pl.BlockSpec((NUM_FEATURES, 1), lambda i: (0, 0)),
        ],
        out_specs=[
            pl.BlockSpec((8, 2), lambda i: (0, 0)),
            pl.BlockSpec((ROWS, 128), lambda i: (i, 0)),
        ],
        out_shape=[
            jax.ShapeDtypeStruct((batch, 2), jnp.float32),
            jax.ShapeDtypeStruct((total_rows, 128), jnp.float32),
        ],
        compiler_params=pltpu.CompilerParams(
            dimension_semantics=("arbitrary",)),
    )(x, w2, V, fi2)
    return (yfm, flat.reshape(batch, NUM_FEATURES, EMBED))

# --- scband reference (transcript-rebuilt; emitter-appended) ---
"""Pipeline reference for scband-fmcomponent-35321811042314 (READ-ONLY COPY).

The authoritative reference and input builder live on the scoring server;
editing this copy changes nothing except your own understanding.
"""

import jax, jax.numpy as jnp
import numpy as np

NUM_FEATURES = 100
NUM_FIELDS = 26
EMBED = 16
BATCH = 16384


def setup_inputs(seed: int = 0) -> dict:
    key = jax.random.key(seed)
    k1, k2, k3 = jax.random.split(key, 3)
    x = jax.random.normal(k1, (BATCH, NUM_FEATURES), dtype=jnp.float32)
    w = jax.random.normal(k2, (NUM_FEATURES,), dtype=jnp.float32) * 0.05
    V = jax.random.normal(k3, (NUM_FIELDS, EMBED), dtype=jnp.float32) * 0.05
    field_index = jnp.asarray(np.arange(NUM_FEATURES) % NUM_FIELDS, dtype=jnp.int32)
    return {"x": x, "w": w, "V": V, "field_index": field_index}


def reference(x, w, V, field_index):
    # x_batch: [B, num_features, 1]
    x_batch = jnp.reshape(x, (-1, NUM_FEATURES, 1))
    # embedding lookup: V[field_index] -> [num_features, embed]
    embedding = jnp.take(V, field_index, axis=0)
    new_inputs = x_batch * embedding  # [B, num_features, embed]
    linear_terms = jnp.sum(w * x, axis=1)
    linear_terms = jnp.reshape(linear_terms, (-1, 1))
    s = jnp.sum(new_inputs, axis=(1, 2))
    sq = jnp.sum(jnp.square(new_inputs), axis=(1, 2))
    interactions = 0.5 * (jnp.square(s) - sq)
    interactions = jnp.reshape(interactions, (-1, 1))
    y_fm = jnp.concatenate([linear_terms, interactions], axis=1)
    return (y_fm, new_inputs)

if __name__ == "__main__":
    import jax
    _d = setup_inputs()
    print(jax.jit(kernel)(*tuple(_d.values())))

</pallas_src>

<mosaic_0001>
module attributes {stable_mosaic.version = 14 : i64} {
  func.func @_fm_body(%arg0: i32, %arg1: memref<512x100xf32, #tpu.memory_space<vmem>>, %arg2: memref<100x1xf32, #tpu.memory_space<vmem>>, %arg3: memref<26x16xf32, #tpu.memory_space<vmem>>, %arg4: memref<100x1xi32, #tpu.memory_space<vmem>>, %arg5: memref<8x2xf32, #tpu.memory_space<vmem>>, %arg6: memref<6400x128xf32, #tpu.memory_space<vmem>>) attributes {dimension_semantics = [#tpu.dimension_semantics<arbitrary>], iteration_bounds = array<i64: 32>, scalar_prefetch = 0 : i64, scratch_operands = 0 : i64, tpu.core_type = #tpu.core_type<tc>, window_params = [{transform_indices = @transform_0, window_bounds = array<i64: 512, 100>}, {pipeline_mode = #tpu.pipeline_mode<synchronous>, transform_indices = @transform_1, window_bounds = array<i64: 100, 1>}, {pipeline_mode = #tpu.pipeline_mode<synchronous>, transform_indices = @transform_2, window_bounds = array<i64: 26, 16>}, {pipeline_mode = #tpu.pipeline_mode<synchronous>, transform_indices = @transform_3, window_bounds = array<i64: 100, 1>}, {transform_indices = @transform_4, window_bounds = array<i64: 8, 2>}, {transform_indices = @transform_5, window_bounds = array<i64: 6400, 128>}]} {
    %broadcast_in_dim3A = arith.constant 0.000000e+00 : f32
    %broadcast_in_dim3A_0 = vector.broadcast %broadcast_in_dim3A : f32 to vector<8x2xf32>
    %swap3A = arith.constant 0 : index
    %swap3A_1 = arith.constant 0 : index
    %swap3A_2 = vector.load %arg5[%swap3A, %swap3A_1] : memref<8x2xf32, #tpu.memory_space<vmem>>, vector<8x2xf32>
    tpu.vector_store %arg5[%swap3A, %swap3A_1], %broadcast_in_dim3A_0 {strides = array<i32>} : memref<8x2xf32, #tpu.memory_space<vmem>>, vector<8x2xf32>,
    %broadcast_in_dim3A_3 = arith.constant 0.000000e+00 : f32
    %broadcast_in_dim3A_4 = vector.broadcast %broadcast_in_dim3A_3 : f32 to vector<6400x128xf32>
    %swap3A_5 = arith.constant 0 : index
    %swap3A_6 = arith.constant 0 : index
    %swap3A_7 = vector.load %arg6[%swap3A_5, %swap3A_6] : memref<6400x128xf32, #tpu.memory_space<vmem>>, vector<6400x128xf32>
    tpu.vector_store %arg6[%swap3A_5, %swap3A_6], %broadcast_in_dim3A_4 {strides = array<i32>} : memref<6400x128xf32, #tpu.memory_space<vmem>>, vector<6400x128xf32>,
    return
  }
  func.func @transform_0(%arg0: i32) -> (i32, i32) {
    %c0_i32 = arith.constant 0 : i32
    %c0_i32_0 = arith.constant 0 : i32
    return %arg0, %c0_i32 : i32, i32
  }
  func.func @transform_1(%arg0: i32) -> (i32, i32) {
    %c0_i32 = arith.constant 0 : i32
    %c0_i32_0 = arith.constant 0 : i32
    %c0_i32_1 = arith.constant 0 : i32
    return %c0_i32, %c0_i32_0 : i32, i32
  }
  func.func @transform_2(%arg0: i32) -> (i32, i32) {
    %c0_i32 = arith.constant 0 : i32
    %c0_i32_0 = arith.constant 0 : i32
    %c0_i32_1 = arith.constant 0 : i32
    return %c0_i32, %c0_i32_0 : i32, i32
  }
  func.func @transform_3(%arg0: i32) -> (i32, i32) {
    %c0_i32 = arith.constant 0 : i32
    %c0_i32_0 = arith.constant 0 : i32
    %c0_i32_1 = arith.constant 0 : i32
    return %c0_i32, %c0_i32_0 : i32, i32
  }
  func.func @transform_4(%arg0: i32) -> (i32, i32) {
    %c0_i32 = arith.constant 0 : i32
    %c0_i32_0 = arith.constant 0 : i32
    %c0_i32_1 = arith.constant 0 : i32
    return %c0_i32, %c0_i32_0 : i32, i32
  }
  func.func @transform_5(%arg0: i32) -> (i32, i32) {
    %c0_i32 = arith.constant 0 : i32
    %c0_i32_0 = arith.constant 0 : i32
    return %arg0, %c0_i32 : i32, i32
  }
}

</mosaic_0001>

<sc_bundles>
// kernel: sparse-core-data-format-call.cloned.1.call-start
scs
called_computation_lowered:
.L_overlay_start_0:
0x0: {  	s2 =	sld [smem:$0x3FD9]  }
0x1: {  	s3 =	sld [smem:$0x3FFE];
	_ =	sdelay $0x1  }
0x2: {  	s1 =	srdreg.scid  }
0x3: {  	s0 =	sand.u32 $0x1, s1  }
0x4: {  	s15 =	sshll.u32 s0, $0xA;
	s2 =	sadd.s32 s3, s2  }
0x5: {  	s2 =	sadd.s32 s2, s15  }
0x6: {  	[smem:$0x3FC4] =	sst s2  }
0x7: {  	_ = 	snop  }
0x8: {  	s2 =	sld [smem:$0x3FD0];
	_ =	sdelay $0x2  }
0x9: {  	s16 =	simm.s32 $0xA;
	s4 =	simm.s32 $0x10  }
0xa: {  	[smem:s4], [sflag:s16] =	dma.local [hbm:s2], $0x1  }
0xb: {  	_ =	swait.eq [sflag:s16], $0x1  }
0xc: {  	[sflag:s16] =	ssyncset.done $0x0  }
0xd: {  	[sflag:s16] =	ssyncadd.s32 $0xFFFFFFFF  }
0xe: {  	s17 =	sld [smem:$0x11];
	(tm) =	ssettm $0x1  }
0xf: {  	s18 =	sld [smem:$0x3FFB];
	_ =	sdelay $0x3  }
0x10: {  	_ =	strace s18  }
0x11: {  	s3 =	sld [smem:$0x3FFC];
	_ =	sdelay $0x3  }
0x12: {  	_ =	strace s3  }
0x13: {  	s3 =	sld [smem:$0x3FFD];
	_ =	sdelay $0x3  }
0x14: {  	_ =	strace s3  }
0x15: {  	_ =	strace $0x8FFFFFFF  }
0x16: {  	s19 =	sld [smem:$0x3FDB];
	_ =	sdelay $0x1  }
0x17: {  	s20 =	simm.s32 $_scs_section_size  }
0x18: {  	s5 =	simm.s32 $_size__tile_overlayer_lowered;
	s6 =	simm.s32 $_tile_overlayer_lowered  }
0x19: {  	s23 =	simm.s32 $0x1BFF;
	s22 =	sshll.u32 s6, $0x1;
	s3 =	sadd.s32 s20, s19  }
0x1a: {  	s7 =	simm.s32 $0x0;
	s21 =	sshll.u32 s5, $0x1;
	s5 =	sadd.s32 s22, s3  }
0x1b: {  	[timem:s7], [sflag:s23] =	dma.local [hbm:s5], s21  }
0x1c: {  	_ =	swait.ge [sflag:s23], s21  }
0x1d: {  	s4 =	ssub.s32 $0x0, s21;
	[sflag:s23] =	ssyncset.done $0x0  }
0x1e: {  	[sflag:s23] =	ssyncadd.s32 s4;
	_ =	sdelay $0x1  }
0x1f: {  	s24 =	simm.s32 $0x1B8B  }
0x20: {  	_ =	swait.ge [sflag:s24], $0x1  }
0x21: {  	[sflag:s24] =	ssyncset.done $0x0  }
0x22: {  	s26 =	simm.s32 $0x1B8E;
	s25 =	sld [smem:$0x3FFE];
	[sflag:s24] =	ssyncadd.s32 $0xFFFFFFFF  }
0x23: {  	s27 =	simm.s32 $execute0_lowered;
	[smem:$0x3FD2] =	sst s26  }
0x24: {  	s5 =	sshll.u32 s27, $0x1;
	_ =	strace $0x80000046;
	[dreg:$0x1] =	wrdreg $0xFFFFFFFF  }
0x25: {  	s28 =	simm.s32 $_size_execute0_lowered;
	s3 =	sadd.s32 s3, s5;
	[dreg:$0x0] =	wrdreg $0x0  }
0x26: {  	s5 =	sshll.u32 s28, $0x1;
	[dreg:$0x2] =	wrdreg s3  }
0x27: {  	[dreg:$0x3] =	wrdreg s5  }
0x28: {  	[dreg:$0x4] =	wrdreg $0xC0  }
0x29: {  	_ =	task [dreg:s7], $0x5FFFF  }
0x2a: {  	[dreg:$0x1] =	wrdreg $0xFFFFFFFF  }
0x2b: {  	[dreg:$0x0] =	wrdreg $0x60  }
0x2c: {  	[dreg:$0x2] =	wrdreg s25  }
0x2d: {  	[dreg:$0x3] =	wrdreg s17  }
0x2e: {  	[dreg:$0x4] =	wrdreg $0x9  }
0x2f: {  	_ =	task.clear_ibuf [dreg:s7], $0x5FFFF;
	_ =	strace $0x90000046  }
0x30: {  	s29 =	simm.s32 $0x9;
	_ =	strace $0x80000048  }
0x31: {  	_ =	swait.ge [sflag:s29], $0x1  }
0x32: {  	[sflag:s29] =	ssyncadd.s32 $0xFFFFFFFF  }
0x33: {  	_ =	strace $0x90000048  }
0x34: {  	_ =	sfence  }
0x35: {  	s30 =	sld [smem:$0x0];
	_ =	sdelay $0x2  }
0x36: {  	s31 =	sshll.u32 s1, $0xD;
	s1 =	sshrl.u32 s1, $0x2  }
0x37: {  	s3 =	sand.u32 $0x4000, s31;
	s1 =	sadd.s32 s1, s30  }
0x38: {  	s0 =	sor.u32 s3, s0;
	s1 =	sshll.u32 s1, $0x11  }
0x39: {  	s0 =	sor.u32 s1, s0  }
0x3a: {  	s0 =	sadd.s32 $0x8F2B, s0  }
0x3b: {  	[sflag:s0] =	ssyncadd.remote.s32 $0x1  }
0x3c: {  	_ =	sfence.sel $0xFFFF  }
0x3d: {  	[dreg:$0x0] =	wrdreg $0xFFFFFFFF;
	(pc) =	sbr.abs _section_cstart, $3  }
0x3e: {  	[dreg:$0x1] =	wrdreg $0xFFFFFFFF  }
0x3f: {  	_ =	task.clear_ibuf [dreg:s7], $0x2FFFF;
	_ =	strace $0x9FFFFFFF  }
0x40: {  	(tm) =	ssettm $0x7FFFFFFF  }
0x41: {  	_ =	shalt  }
tec
execute0_lowered:
.L_overlay_start_1:
0x0: {  	(tag) =	ssettag $0x1  }
0x1: {  	s0 =	srdreg.scid  }
0x2: {  	s1 =	sshll.u32 s0, $0x4  }
0x3: {  	s0 =	stileid.u32;
	s1 =	sand.u32 $0x10, s1  }
0x4: {  	s1 =	sor.u32 s0, s1  }
0x5: {  	s6 =	rddreg [dreg:$0x0];
	s4 =	simm.s32 $0x1;
	s2 =	sshll.u32 s1, $0x7  }
0x6: {  	s7 =	simm.s32 $0x2;
	s12 =	simm.s32 $0x0;
	s1 =	ssub.s32 $0x4000, s2  }
0x7: {  	s8 =	simm.s32 $0x20000;
	s13 =	simm.s32 $0x0;
	s3 =	sand.u32 $0xF80, s1  }
0x8: {  	s9 =	simm.s32 $0x0;
	s5 =	sshrl.u32 s1, $0xC;
	p0 =	sne.s32 s3, $0x0  }
.Ltmp0:
0x9: {  	s1 =	rddreg [dreg:$0x2];
	s4 =	simm.s32 @!p0 $0x0;
	(pc) =	sbr.rel .LBB1_1-.Ltmp0, $4  }
0xa: {  	s11 =	simm.s32 $0x0;
	s3 =	rddreg [dreg:$0x1];
	s5 =	sadd.s32 s4, s5  }
0xb: {  	_ =	strace $0x80000047;
	s4 =	simm.s32 $0x1;
	s5 =	smul.u32 $0x64, s5  }
0xc: {  	s6 =	sadd.s32 $0x40A00, s6;
	s10 =	smov.u32 s2;
	[sflag:s4] =	ssyncpa.u1 $0x0  }
0xd: {  	p0 =	por $0x0, $0x0;
	[sflag:s7] =	ssyncpa.u1 $0x0;
	s7 =	sor.u32 $0x1, s5  }
.LBB1_4:
0xe: {  	s16 =	sshll.u32 s13, $0x3;
	s17 =	sand.u32 $0x78, s13  }
0xf: {  	s30 =	sand.u32 $0x7800, s13;
	s12 =	sshll.u32 s12, $0xF;
	s16 =	sand.u32 $0x3C00, s16  }
0x10: {  	s31 =	sand.u32 $0x7, s13;
	s16 =	sor.u32 s17, s16;
	s17 =	sadd.s32 s3, s30  }
0x11: {  	s13 =	sshll.u32 s31, $0x12;
	s16 =	sshrl.u32 s16, $0x3;
	s12 =	sadd.s32 s12, s17  }
0x12: {  	[tilespmem:s15+$0x0 ss:$0x81] =	vst.msk $0xffff, v1;
	s13 =	sor.u32 $0x400, s13;
	s12 =	sadd.s32 s16, s12  }
0x13: {  	[hbm4b:s12+s13] =	stream.strided.scatter [tilespmem:s14], [sflag:$0x2], $0x800, s8, s13, $0x20;
	[tilespmem:$0x2020] =	vst v63  }
.LBB1_5:
0x14: {  	s14 =	sadd.s32 $0x1, s9  }
0x15: {  	s12 =	sadd.s32 $0x1000, s10;
	s16 =	smov.u32 s10;
	p2 =	sgt.s32 s14, $0x63  }
0x16: {  	s16 =	smov.u32 @p2 s12  }
0x17: {  	s14 =	simm.s32 @p2 $0x0;
	p2 =	sgt.s32 s16, $0x3FFF  }
0x18: {  	s16 =	smov.u32 @p2 s2;
	p2 =	sne.s32 s11, s7  }
.Ltmp1:
0x19: {  	p1 =	slt.u32 s11, $0x2;
	(pc) =	sbr.rel @!p2 .LBB1_6-.Ltmp1, $4  }
0x1a: {  	s15 =	simm.s32 @!p1 $0x2  }
0x1b: {  	s13 =	smov.u32 s10;
	p0 =	por !p0, !p0;
	_ =	swait.ge @!p1 [sflag:s15], $0x800  }
0x1c: {  	s12 =	smov.u32 s9;
	[sflag:s15] =	ssyncset.done @!p1 $0x0;
	s9 =	smov.u32 s14  }
0x1d: {  	s11 =	sadd.s32 $0x1, s11;
	[sflag:s15] =	ssyncadd.s32 @!p1 $0xFFFFF800;
	s10 =	smov.u32 s16  }
.LBB1_1:
0x1e: {  	p1 =	sge.u32 s11, s5  }
0x1f: {  	s14 =	sand.u32 @!p1 $0x1FFFFFF, s9  }
0x20: {  	s15 =	smulhi.u32 @!p1 $0x2762763, s14;
	_ =	sdelay $0x1  }
0x21: {  	s15 =	smul.u32 @!p1 $0x68, s15  }
0x22: {  	s16 =	sxor.u32 @!p1 $0xFFFFFFFF, s11;
	s17 =	smul.u32 @!p1 $0x680, s10  }
0x23: {  	s31 =	sadd.s32 $0xFFFFFFFF, s11;
	s16 =	sshll.u32 @!p1 s16, $0xB;
	s14 =	ssub.s32 @!p1 s14, s15  }
0x24: {  	s15 =	sand.u32 @!p1 $0x800, s16;
	s16 =	sadd.s32 @!p1 s6, s17;
	s14 =	sshll.u32 @!p1 s14, $0x4  }
0x25: {  	s17 =	simm.s32 @!p1 $0x3400;
	s14 =	sadd.s32 @!p1 s14, s16;
	s16 =	simm.s32 @!p1 $0x10  }
0x26: {  	[tilespmem:s15], [sflag:$0x1] =	stream.strided.gather @!p1 [hbm4b:s14+s16], $0x800, s17, s16, $0x38;
	[tilespmem:$0x2020] =	vst v63  }
0x27: {  	p1 =	sge.u32 s31, s5  }
.Ltmp2:
0x28: {  	_ = 	snop;
	(pc) =	sbr.rel @p1 .LBB1_5-.Ltmp2, $1  }
0x29: {  	_ =	sdelay $0x3  }
0x2a: {  	s14 =	simm.s32 $0x1  }
0x2b: {  	s14 =	simm.s32 @!p0 $0x0  }
0x2c: {  	s15 =	sshll.u32 s14, $0xB  }
0x2d: {  	v0 =	vmov s15;
	_ =	sdelay $0x1  }
0x2e: {  	_ =	swait.ge [sflag:s4], $0x800  }
0x2f: {  	s31 =	sand.u32 $0x1, s11;
	[sflag:s4] =	ssyncset.done $0x0  }
0x30: {  	s17 =	simm.s32 $0x0;
	s14 =	smul.u32 $0x2040, s14;
	[sflag:s4] =	ssyncadd.s32 $0xFFFFF800  }
0x31: {  	s15 =	smul.u32 $0x2040, s31;
	v1 =	vld.idx.msk [tilespmem:v0+s17+$0x0 ss:$0x1], $0xffff;
	_ =	sdelay $0x1  }
0x32: {  	s14 =	sshrl.u32 s14, $0x2;
	s16 =	sshrl.u32 s15, $0x2  }
0x33: {  	s15 =	sor.u32 $0x1000, s14;
	s14 =	sor.u32 $0x1000, s16;
	s16 =	simm.s32 $0x40  }
.LBB1_3:
0x34: {  	s17 =	sshra.s32 s16, $0x2;
	p1 =	sne.s32 s16, $0x1FC0;
	s16 =	sadd.s32 $0x40, s16  }
.Ltmp3:
0x35: {  	[tilespmem:s15+$0x0 ss:$0x81] =	vst.msk $0xffff, v1;
	v1 =	vld.idx.msk [tilespmem:v0+s17+$0x0 ss:$0x1], $0xffff;
	(pc) =	sbr.rel @p1 .LBB1_3-.Ltmp3, $2  }
0x36: {  	_ =	sdelay $0x2  }
0x37: {  	s15 =	sadd.s32 $0x1, s15  }
.Ltmp4:
0x38: {  	_ = 	snop;
	(pc) =	sbr.rel .LBB1_4-.Ltmp4, $1  }
0x39: {  	_ =	sdelay $0x3  }
.LBB1_6:
0x3a: {  	_ =	sfence.sel $0x180000  }
0x3b: {  	s2 =	simm.s32 $0x1;
	[bflag:$0x0] =	sbarrier.arrive $0xFFFF  }
0x3c: {  	s31 =	simm.s32 $0x2;
	[sflag:s2] =	ssyncpa.u1 $0x1  }
0x3d: {  	[sflag:s31] =	ssyncpa.u1 $0x1  }
0x3e: {  	p0 =	sne.s32 s0, $0x0;
	_ =	strace $0x90000047  }
0x3f: {  	s0 =	sadd.s32 @!p0 $0x100000, s1;
	[bflag:$0x2] =	sbarrier.arrive $0xFFFF  }
0x40: {  	[sflag:s0] =	ssyncadd.tile.s32 @!p0 $0x1;
	_ =	shalt  }
.Lfunc_end1:
_tile_overlayer_lowered:
.L_overlay_start_2:
0x41: {  	(tag) =	ssettag $0x2  }
0x42: {  	s0 =	rddreg [dreg:$0x0];
	s2 =	stileid.u32  }
0x43: {  	s1 =	rddreg [dreg:$0x1];
	p0 =	sne.s32 s2, $0x0  }
0x44: {  	s3 =	rddreg [dreg:$0x2];
	[bflag:$0x3] =	sbarrier.arrive $0xFFFF;
	s2 =	simm.s32 @!p0 $0x1C01  }
0x45: {  	[timem:s3], [sflag:s2] =	dma.local @!p0 [hbm:s0], s1  }
0x46: {  	s0 =	simm.s32 @!p0 $0x1  }
0x47: {  	_ =	swait.ge @!p0 [sflag:s0], s1  }
0x48: {  	s1 =	ssub.s32 @!p0 $0x0, s1;
	[sflag:s0] =	ssyncset.done @!p0 $0x0  }
0x49: {  	[sflag:s0] =	ssyncadd.s32 @!p0 s1  }
0x4a: {  	[bflag:$0x3] =	sbarrier.arrive $0xFFFF  }
0x4b: {  	_ =	shalt  }

</sc_bundles>
